<compile_context>
chip_gen: v7x
topology: tpu7x:2x2x1
jax: 0.10.2.dev20260603
libtpu: 0.0.44.dev20260713+nightly
codegen_flags: <defaults>
</compile_context>

<pallas_src>
import functools
import numpy as np
import jax
import jax.numpy as jnp
from jax import lax
from jax.experimental import pallas as pl
from jax.experimental.pallas import tpu as pltpu
from jax.experimental.pallas import tpu_sc as plsc

_STEPS = 1000
_BB = 8


def _schedule_tables():
    scale = np.float32(1000.0 / _STEPS)
    beta = np.linspace(scale * np.float32(0.0001), scale * np.float32(0.02),
                       _STEPS, dtype=np.float32)
    alpha = (np.float32(1.0) - beta).astype(np.float32)
    alpha_cum = np.cumprod(alpha, dtype=np.float32)
    sqrt_ac = np.sqrt(alpha_cum).astype(np.float32)
    sqrt_omac = np.sqrt((np.float32(1.0) - alpha_cum)).astype(np.float32)
    return sqrt_ac, sqrt_omac


_SQRT_AC, _SQRT_OMAC = _schedule_tables()
_SA128 = np.ascontiguousarray(np.repeat(_SQRT_AC[:, None], 128, axis=1))
_SO128 = np.ascontiguousarray(np.repeat(_SQRT_OMAC[:, None], 128, axis=1))

_sc_cache = {}


def _get_sc_gather(n):
    if n in _sc_cache:
        return _sc_cache[n]
    mesh = plsc.VectorSubcoreMesh(core_axis_name="c", subcore_axis_name="s")

    @functools.partial(
        pl.kernel,
        mesh=mesh,
        out_type=[
            jax.ShapeDtypeStruct((n, 128), jnp.float32),
            jax.ShapeDtypeStruct((n, 128), jnp.float32),
        ],
        scratch_types=[
            pltpu.VMEM((8,), jnp.int32),
            pltpu.VMEM((8, 128), jnp.float32),
            pltpu.VMEM((8, 128), jnp.float32),
            pltpu.SemaphoreType.DMA,
            pltpu.SemaphoreType.DMA,
        ],
    )
    def _sc_gather(ts_hbm, sa_hbm, so_hbm, a_out, c_out,
                   idx_v, a_v, c_v, s1, s2):
        wid = lax.axis_index("s") * 2 + lax.axis_index("c")

        @pl.when(wid < n // 8)
        def _():
            base = wid * 8
            pltpu.sync_copy(ts_hbm.at[pl.ds(base, 8)], idx_v)
            pltpu.async_copy(sa_hbm.at[idx_v], a_v, s1).wait()
            pltpu.async_copy(so_hbm.at[idx_v], c_v, s2).wait()
            pltpu.sync_copy(a_v, a_out.at[pl.ds(base, 8)])
            pltpu.sync_copy(c_v, c_out.at[pl.ds(base, 8)])

    _sc_cache[n] = _sc_gather
    return _sc_gather


def _scale_add_kernel(a_ref, c_ref, x_ref, e_ref, o_ref):
    g = pl.program_id(0)
    for j in range(_BB):
        i = g * _BB + j
        o_ref[j] = a_ref[i] * x_ref[j] + c_ref[i] * e_ref[j]


def kernel(inputs, eps, ts):
    n, c, h, w = inputs.shape

    sa = jnp.asarray(_SA128)
    so = jnp.asarray(_SO128)
    a_rows, c_rows = _get_sc_gather(n)(ts, sa, so)
    coef_a = a_rows[:, 0]
    coef_c = c_rows[:, 0]

    blk = (_BB, c, h, w)
    out = pl.pallas_call(
        _scale_add_kernel,
        grid_spec=pltpu.PrefetchScalarGridSpec(
            num_scalar_prefetch=2,
            grid=(n // _BB,),
            in_specs=[
                pl.BlockSpec(blk, lambda b, *_: (b, 0, 0, 0)),
                pl.BlockSpec(blk, lambda b, *_: (b, 0, 0, 0)),
            ],
            out_specs=pl.BlockSpec(blk, lambda b, *_: (b, 0, 0, 0)),
        ),
        out_shape=jax.ShapeDtypeStruct(inputs.shape, jnp.float32),
    )(coef_a, coef_c, inputs, eps)
    return out

# --- scband reference (transcript-rebuilt; emitter-appended) ---
"""Pipeline reference for scband-diffusion-layer-39883066310854 (READ-ONLY COPY).

The authoritative reference and input builder live on the scoring server;
editing this copy changes nothing except your own understanding.
"""

import jax, jax.numpy as jnp
import numpy as np

STEPS = 1000

def _tables(steps=STEPS):
    scale = 1000.0 / steps
    beta_start = scale * 0.0001
    beta_end = scale * 0.02
    beta = jnp.linspace(beta_start, beta_end, steps, dtype=jnp.float32)
    alpha = 1.0 - beta
    alpha_cumulative = jnp.cumprod(alpha, axis=0)
    sqrt_alpha_cumulative = jnp.sqrt(alpha_cumulative)
    sqrt_one_minus_alpha_cumulative = jnp.sqrt(1.0 - alpha_cumulative)
    return sqrt_alpha_cumulative, sqrt_one_minus_alpha_cumulative


def setup_inputs(seed: int = 0) -> dict:
    key = jax.random.key(seed)
    k1, k2, k3 = jax.random.split(key, 3)
    inputs = jax.random.normal(k1, (128, 3, 224, 224), dtype=jnp.float32)
    # eps ~ N(0, I): torch draws this inside forward; we materialize it for determinism
    eps = jax.random.normal(k2, (128, 3, 224, 224), dtype=jnp.float32)
    # ts ~ Beta(1,1)*steps = Uniform[0, steps) floored -> uniform ints in [0, steps)
    ts = jax.random.randint(k3, (128,), 0, STEPS, dtype=jnp.int32)
    return {"inputs": inputs, "eps": eps, "ts": ts}


def reference(inputs, eps, ts):
    sqrt_ac, sqrt_omac = _tables(STEPS)
    # gather per-sample coefficients from the precomputed schedule tables
    mean_coef = jnp.take(sqrt_ac, ts, axis=0).reshape(-1, 1, 1, 1)
    std = jnp.take(sqrt_omac, ts, axis=0).reshape(-1, 1, 1, 1)
    mean = mean_coef * inputs
    outputs = mean + std * eps
    return outputs

if __name__ == "__main__":
    import jax
    _d = setup_inputs()
    print(jax.jit(kernel)(*tuple(_d.values())))

</pallas_src>

<mosaic_0001>
#map = affine_map<(d0, d1) -> (0)>
#map1 = affine_map<(d0, d1) -> (0, 0)>
module attributes {stable_mosaic.version = 14 : i64} {
  func.func @_sc_gather(%arg0: i32, %arg1: i32, %arg2: memref<128xi32, #tpu.memory_space<hbm>>, %arg3: memref<1000x128xf32, #tpu.memory_space<hbm>>, %arg4: memref<1000x128xf32, #tpu.memory_space<hbm>>, %arg5: memref<128x128xf32, #tpu.memory_space<hbm>>, %arg6: memref<128x128xf32, #tpu.memory_space<hbm>>, %arg7: memref<8xi32, #tpu.memory_space<vmem>>, %arg8: memref<8x128xf32, #tpu.memory_space<vmem>>, %arg9: memref<8x128xf32, #tpu.memory_space<vmem>>, %arg10: memref<!tpu.dma_semaphore, #tpu.memory_space<semaphore_mem>>, %arg11: memref<!tpu.dma_semaphore, #tpu.memory_space<semaphore_mem>>) attributes {dimension_semantics = [#tpu.dimension_semantics<core_parallel>, #tpu.dimension_semantics<subcore_parallel>], iteration_bounds = array<i64: 2, 16>, scalar_prefetch = 0 : i64, scratch_operands = 5 : i64, tpu.core_type = #tpu.core_type<sc_vector_subcore>, window_params = [{transform_indices = #map}, {transform_indices = #map1}, {transform_indices = #map1}, {transform_indices = #map1}, {transform_indices = #map1}]} {
    %mul3A = arith.constant 2 : i32
    %mul3A_0 = arith.muli %arg1, %mul3A : i32
    %add3A = arith.addi %mul3A_0, %arg0 : i32
    %lt3A = arith.constant 16 : i32
    %lt3A_1 = arith.cmpi slt, %add3A, %lt3A : i32
    %convert_element_type3A = arith.extui %lt3A_1 : i1 to i32
    %cond3A = arith.constant 0 : i32
    %cond3A_2 = arith.cmpi ne, %convert_element_type3A, %cond3A : i32
    scf.if %cond3A_2 {
      %mul3A_3 = arith.constant 8 : i32
      %mul3A_4 = arith.muli %add3A, %mul3A_3 : i32
      "tpu.region"() ({
        %run_scoped3A = tpu.sem_alloc : memref<!tpu.dma_semaphore, #tpu.memory_space<semaphore_mem>>
        %dma_start3A_15 = tpu.memref_slice %arg2[%mul3A_4] : memref<128xi32, #tpu.memory_space<hbm>> -> memref<8xi32, #tpu.memory_space<hbm>>
        %dma_start3A_16 = tpu.memref_slice %arg2[%mul3A_4] : memref<128xi32, #tpu.memory_space<hbm>> -> memref<8xi32, #tpu.memory_space<hbm>>
        tpu.enqueue_dma source(%dma_start3A_16 : memref<8xi32, #tpu.memory_space<hbm>>) target(%arg7 : memref<8xi32, #tpu.memory_space<vmem>>) target_semaphore(%run_scoped3A : memref<!tpu.dma_semaphore, #tpu.memory_space<semaphore_mem>>)
        %dma_wait3A_17 = tpu.memref_slice %arg2[%mul3A_4] : memref<128xi32, #tpu.memory_space<hbm>> -> memref<8xi32, #tpu.memory_space<hbm>>
        %dma_wait3A_18 = tpu.memref_slice %arg2[%mul3A_4] : memref<128xi32, #tpu.memory_space<hbm>> -> memref<8xi32, #tpu.memory_space<hbm>>
        tpu.wait_dma2 semaphore(%run_scoped3A : memref<!tpu.dma_semaphore, #tpu.memory_space<semaphore_mem>>) src(%dma_wait3A_18 : memref<8xi32, #tpu.memory_space<hbm>>) dst(%arg7 : memref<8xi32, #tpu.memory_space<vmem>>)
        tpu.yield
      }) : () -> ()
      %dma_start3A = arith.constant 0 : i32
      %dma_start3A_5 = arith.constant 0 : i32
      %dma_start3A_6 = tpu.memref_slice %arg3[%dma_start3A, %dma_start3A_5] : memref<1000x128xf32, #tpu.memory_space<hbm>> -> memref<1000x128xf32, #tpu.memory_space<hbm>>
      tpu.enqueue_indirect_dma source(%dma_start3A_6 : memref<1000x128xf32, #tpu.memory_space<hbm>>) target(%arg8 : memref<8x128xf32, #tpu.memory_space<vmem>>) offsets(%arg7 : memref<8xi32, #tpu.memory_space<vmem>>) semaphore(%arg10 : memref<!tpu.dma_semaphore, #tpu.memory_space<semaphore_mem>>)
      %dma_wait3A = arith.constant 0 : i32
      %dma_wait3A_7 = arith.constant 0 : i32
      %dma_wait3A_8 = tpu.memref_slice %arg3[%dma_wait3A, %dma_wait3A_7] : memref<1000x128xf32, #tpu.memory_space<hbm>> -> memref<1000x128xf32, #tpu.memory_space<hbm>>
      tpu.wait_indirect_dma semaphore(%arg10 : memref<!tpu.dma_semaphore, #tpu.memory_space<semaphore_mem>>) src(%dma_wait3A_8 : memref<1000x128xf32, #tpu.memory_space<hbm>>) dst(%arg8 : memref<8x128xf32, #tpu.memory_space<vmem>>)
      %dma_start3A_9 = arith.constant 0 : i32
      %dma_start3A_10 = arith.constant 0 : i32
      %dma_start3A_11 = tpu.memref_slice %arg4[%dma_start3A_9, %dma_start3A_10] : memref<1000x128xf32, #tpu.memory_space<hbm>> -> memref<1000x128xf32, #tpu.memory_space<hbm>>
      tpu.enqueue_indirect_dma source(%dma_start3A_11 : memref<1000x128xf32, #tpu.memory_space<hbm>>) target(%arg9 : memref<8x128xf32, #tpu.memory_space<vmem>>) offsets(%arg7 : memref<8xi32, #tpu.memory_space<vmem>>) semaphore(%arg11 : memref<!tpu.dma_semaphore, #tpu.memory_space<semaphore_mem>>)
      %dma_wait3A_12 = arith.constant 0 : i32
      %dma_wait3A_13 = arith.constant 0 : i32
      %dma_wait3A_14 = tpu.memref_slice %arg4[%dma_wait3A_12, %dma_wait3A_13] : memref<1000x128xf32, #tpu.memory_space<hbm>> -> memref<1000x128xf32, #tpu.memory_space<hbm>>
      tpu.wait_indirect_dma semaphore(%arg11 : memref<!tpu.dma_semaphore, #tpu.memory_space<semaphore_mem>>) src(%dma_wait3A_14 : memref<1000x128xf32, #tpu.memory_space<hbm>>) dst(%arg9 : memref<8x128xf32, #tpu.memory_space<vmem>>)
      "tpu.region"() ({
        %run_scoped3A = tpu.sem_alloc : memref<!tpu.dma_semaphore, #tpu.memory_space<semaphore_mem>>
        %dma_start3A_15 = arith.constant 0 : i32
        %dma_start3A_16 = tpu.memref_slice %arg5[%mul3A_4, %dma_start3A_15] : memref<128x128xf32, #tpu.memory_space<hbm>> -> memref<8x128xf32, #tpu.memory_space<hbm>>
        %dma_start3A_17 = arith.constant 0 : i32
        %dma_start3A_18 = tpu.memref_slice %arg5[%mul3A_4, %dma_start3A_17] : memref<128x128xf32, #tpu.memory_space<hbm>> -> memref<8x128xf32, #tpu.memory_space<hbm>>
        tpu.enqueue_dma source(%arg8 : memref<8x128xf32, #tpu.memory_space<vmem>>) target(%dma_start3A_18 : memref<8x128xf32, #tpu.memory_space<hbm>>) target_semaphore(%run_scoped3A : memref<!tpu.dma_semaphore, #tpu.memory_space<semaphore_mem>>)
        %dma_wait3A_19 = arith.constant 0 : i32
        %dma_wait3A_20 = tpu.memref_slice %arg5[%mul3A_4, %dma_wait3A_19] : memref<128x128xf32, #tpu.memory_space<hbm>> -> memref<8x128xf32, #tpu.memory_space<hbm>>
        %dma_wait3A_21 = arith.constant 0 : i32
        %dma_wait3A_22 = tpu.memref_slice %arg5[%mul3A_4, %dma_wait3A_21] : memref<128x128xf32, #tpu.memory_space<hbm>> -> memref<8x128xf32, #tpu.memory_space<hbm>>
        tpu.wait_dma2 semaphore(%run_scoped3A : memref<!tpu.dma_semaphore, #tpu.memory_space<semaphore_mem>>) src(%arg8 : memref<8x128xf32, #tpu.memory_space<vmem>>) dst(%dma_wait3A_22 : memref<8x128xf32, #tpu.memory_space<hbm>>)
        tpu.yield
      }) : () -> ()
      "tpu.region"() ({
        %run_scoped3A = tpu.sem_alloc : memref<!tpu.dma_semaphore, #tpu.memory_space<semaphore_mem>>
        %dma_start3A_15 = arith.constant 0 : i32
        %dma_start3A_16 = tpu.memref_slice %arg6[%mul3A_4, %dma_start3A_15] : memref<128x128xf32, #tpu.memory_space<hbm>> -> memref<8x128xf32, #tpu.memory_space<hbm>>
        %dma_start3A_17 = arith.constant 0 : i32
        %dma_start3A_18 = tpu.memref_slice %arg6[%mul3A_4, %dma_start3A_17] : memref<128x128xf32, #tpu.memory_space<hbm>> -> memref<8x128xf32, #tpu.memory_space<hbm>>
        tpu.enqueue_dma source(%arg9 : memref<8x128xf32, #tpu.memory_space<vmem>>) target(%dma_start3A_18 : memref<8x128xf32, #tpu.memory_space<hbm>>) target_semaphore(%run_scoped3A : memref<!tpu.dma_semaphore, #tpu.memory_space<semaphore_mem>>)
        %dma_wait3A_19 = arith.constant 0 : i32
        %dma_wait3A_20 = tpu.memref_slice %arg6[%mul3A_4, %dma_wait3A_19] : memref<128x128xf32, #tpu.memory_space<hbm>> -> memref<8x128xf32, #tpu.memory_space<hbm>>
        %dma_wait3A_21 = arith.constant 0 : i32
        %dma_wait3A_22 = tpu.memref_slice %arg6[%mul3A_4, %dma_wait3A_21] : memref<128x128xf32, #tpu.memory_space<hbm>> -> memref<8x128xf32, #tpu.memory_space<hbm>>
        tpu.wait_dma2 semaphore(%run_scoped3A : memref<!tpu.dma_semaphore, #tpu.memory_space<semaphore_mem>>) src(%arg9 : memref<8x128xf32, #tpu.memory_space<vmem>>) dst(%dma_wait3A_22 : memref<8x128xf32, #tpu.memory_space<hbm>>)
        tpu.yield
      }) : () -> ()
    } else {
    }
    return
  }
}

module attributes {stable_mosaic.version = 14 : i64} {
  func.func @_scale_add_kernel(%arg0: i32, %arg1: memref<128xf32, #tpu.memory_space<smem>>, %arg2: memref<128xf32, #tpu.memory_space<smem>>, %arg3: memref<8x3x224x224xf32, #tpu.memory_space<vmem>>, %arg4: memref<8x3x224x224xf32, #tpu.memory_space<vmem>>, %arg5: memref<8x3x224x224xf32, #tpu.memory_space<vmem>>) attributes {dimension_semantics = [#tpu.dimension_semantics<arbitrary>], iteration_bounds = array<i64: 16>, scalar_prefetch = 2 : i64, scratch_operands = 0 : i64, tpu.core_type = #tpu.core_type<tc>, window_params = [{transform_indices = @transform_0, window_bounds = array<i64: 8, 3, 224, 224>}, {transform_indices = @transform_1, window_bounds = array<i64: 8, 3, 224, 224>}, {transform_indices = @transform_2, window_bounds = array<i64: 8, 3, 224, 224>}]} {
    %mul3A = arith.constant 8 : i32
    %mul3A_0 = arith.muli %arg0, %mul3A : i32
    %add3A = arith.constant 0 : i32
    %add3A_1 = arith.addi %mul3A_0, %add3A : i32
    %get3A = arith.index_cast %add3A_1 : i32 to index
    %get3A_2 = memref.load %arg1[%get3A] : memref<128xf32, #tpu.memory_space<smem>>
    %get3A_3 = arith.constant 0 : index
    %get3A_4 = arith.constant 0 : index
    %get3A_5 = arith.constant 0 : index
    %get3A_6 = arith.constant 0 : index
    %get3A_7 = vector.load %arg3[%get3A_3, %get3A_4, %get3A_5, %get3A_6] : memref<8x3x224x224xf32, #tpu.memory_space<vmem>>, vector<1x3x224x224xf32>
    %get3A_8 = vector.shape_cast %get3A_7 : vector<1x3x224x224xf32> to vector<3x224x224xf32>
    %mul3A_9 = vector.broadcast %get3A_2 : f32 to vector<3x224x224xf32>
    %mul3A_10 = arith.mulf %mul3A_9, %get3A_8 : vector<3x224x224xf32>
    %get3A_11 = arith.index_cast %add3A_1 : i32 to index
    %get3A_12 = memref.load %arg2[%get3A_11] : memref<128xf32, #tpu.memory_space<smem>>
    %get3A_13 = arith.constant 0 : index
    %get3A_14 = arith.constant 0 : index
    %get3A_15 = arith.constant 0 : index
    %get3A_16 = arith.constant 0 : index
    %get3A_17 = vector.load %arg4[%get3A_13, %get3A_14, %get3A_15, %get3A_16] : memref<8x3x224x224xf32, #tpu.memory_space<vmem>>, vector<1x3x224x224xf32>
    %get3A_18 = vector.shape_cast %get3A_17 : vector<1x3x224x224xf32> to vector<3x224x224xf32>
    %mul3A_19 = vector.broadcast %get3A_12 : f32 to vector<3x224x224xf32>
    %mul3A_20 = arith.mulf %mul3A_19, %get3A_18 : vector<3x224x224xf32>
    %add3A_21 = arith.addf %mul3A_10, %mul3A_20 : vector<3x224x224xf32>
    %swap3A = arith.constant 0 : index
    %swap3A_22 = arith.constant 0 : index
    %swap3A_23 = arith.constant 0 : index
    %swap3A_24 = arith.constant 0 : index
    %swap3A_25 = vector.load %arg5[%swap3A, %swap3A_22, %swap3A_23, %swap3A_24] : memref<8x3x224x224xf32, #tpu.memory_space<vmem>>, vector<1x3x224x224xf32>
    %swap3A_26 = vector.shape_cast %swap3A_25 : vector<1x3x224x224xf32> to vector<3x224x224xf32>
    %swap3A_27 = vector.shape_cast %add3A_21 : vector<3x224x224xf32> to vector<1x3x224x224xf32>
    tpu.vector_store %arg5[%swap3A, %swap3A_22, %swap3A_23, %swap3A_24], %swap3A_27 {strides = array<i32>} : memref<8x3x224x224xf32, #tpu.memory_space<vmem>>, vector<1x3x224x224xf32>,
    %mul3A_28 = arith.constant 8 : i32
    %mul3A_29 = arith.muli %arg0, %mul3A_28 : i32
    %add3A_30 = arith.constant 1 : i32
    %add3A_31 = arith.addi %mul3A_29, %add3A_30 : i32
    %get3A_32 = arith.index_cast %add3A_31 : i32 to index
    %get3A_33 = memref.load %arg1[%get3A_32] : memref<128xf32, #tpu.memory_space<smem>>
    %get3A_34 = arith.constant 1 : index
    %get3A_35 = arith.constant 0 : index
    %get3A_36 = arith.constant 0 : index
    %get3A_37 = arith.constant 0 : index
    %get3A_38 = vector.load %arg3[%get3A_34, %get3A_35, %get3A_36, %get3A_37] : memref<8x3x224x224xf32, #tpu.memory_space<vmem>>, vector<1x3x224x224xf32>
    %get3A_39 = vector.shape_cast %get3A_38 : vector<1x3x224x224xf32> to vector<3x224x224xf32>
    %mul3A_40 = vector.broadcast %get3A_33 : f32 to vector<3x224x224xf32>
    %mul3A_41 = arith.mulf %mul3A_40, %get3A_39 : vector<3x224x224xf32>
    %get3A_42 = arith.index_cast %add3A_31 : i32 to index
    %get3A_43 = memref.load %arg2[%get3A_42] : memref<128xf32, #tpu.memory_space<smem>>
    %get3A_44 = arith.constant 1 : index
    %get3A_45 = arith.constant 0 : index
    %get3A_46 = arith.constant 0 : index
    %get3A_47 = arith.constant 0 : index
    %get3A_48 = vector.load %arg4[%get3A_44, %get3A_45, %get3A_46, %get3A_47] : memref<8x3x224x224xf32, #tpu.memory_space<vmem>>, vector<1x3x224x224xf32>
    %get3A_49 = vector.shape_cast %get3A_48 : vector<1x3x224x224xf32> to vector<3x224x224xf32>
    %mul3A_50 = vector.broadcast %get3A_43 : f32 to vector<3x224x224xf32>
    %mul3A_51 = arith.mulf %mul3A_50, %get3A_49 : vector<3x224x224xf32>
    %add3A_52 = arith.addf %mul3A_41, %mul3A_51 : vector<3x224x224xf32>
    %swap3A_53 = arith.constant 1 : index
    %swap3A_54 = arith.constant 0 : index
    %swap3A_55 = arith.constant 0 : index
    %swap3A_56 = arith.constant 0 : index
    %swap3A_57 = vector.load %arg5[%swap3A_53, %swap3A_54, %swap3A_55, %swap3A_56] : memref<8x3x224x224xf32, #tpu.memory_space<vmem>>, vector<1x3x224x224xf32>
    %swap3A_58 = vector.shape_cast %swap3A_57 : vector<1x3x224x224xf32> to vector<3x224x224xf32>
    %swap3A_59 = vector.shape_cast %add3A_52 : vector<3x224x224xf32> to vector<1x3x224x224xf32>
    tpu.vector_store %arg5[%swap3A_53, %swap3A_54, %swap3A_55, %swap3A_56], %swap3A_59 {strides = array<i32>} : memref<8x3x224x224xf32, #tpu.memory_space<vmem>>, vector<1x3x224x224xf32>,
    %mul3A_60 = arith.constant 8 : i32
    %mul3A_61 = arith.muli %arg0, %mul3A_60 : i32
    %add3A_62 = arith.constant 2 : i32
    %add3A_63 = arith.addi %mul3A_61, %add3A_62 : i32
    %get3A_64 = arith.index_cast %add3A_63 : i32 to index
    %get3A_65 = memref.load %arg1[%get3A_64] : memref<128xf32, #tpu.memory_space<smem>>
    %get3A_66 = arith.constant 2 : index
    %get3A_67 = arith.constant 0 : index
    %get3A_68 = arith.constant 0 : index
    %get3A_69 = arith.constant 0 : index
    %get3A_70 = vector.load %arg3[%get3A_66, %get3A_67, %get3A_68, %get3A_69] : memref<8x3x224x224xf32, #tpu.memory_space<vmem>>, vector<1x3x224x224xf32>
    %get3A_71 = vector.shape_cast %get3A_70 : vector<1x3x224x224xf32> to vector<3x224x224xf32>
    %mul3A_72 = vector.broadcast %get3A_65 : f32 to vector<3x224x224xf32>
    %mul3A_73 = arith.mulf %mul3A_72, %get3A_71 : vector<3x224x224xf32>
    %get3A_74 = arith.index_cast %add3A_63 : i32 to index
    %get3A_75 = memref.load %arg2[%get3A_74] : memref<128xf32, #tpu.memory_space<smem>>
    %get3A_76 = arith.constant 2 : index
    %get3A_77 = arith.constant 0 : index
    %get3A_78 = arith.constant 0 : index
    %get3A_79 = arith.constant 0 : index
    %get3A_80 = vector.load %arg4[%get3A_76, %get3A_77, %get3A_78, %get3A_79] : memref<8x3x224x224xf32, #tpu.memory_space<vmem>>, vector<1x3x224x224xf32>
    %get3A_81 = vector.shape_cast %get3A_80 : vector<1x3x224x224xf32> to vector<3x224x224xf32>
    %mul3A_82 = vector.broadcast %get3A_75 : f32 to vector<3x224x224xf32>
    %mul3A_83 = arith.mulf %mul3A_82, %get3A_81 : vector<3x224x224xf32>
    %add3A_84 = arith.addf %mul3A_73, %mul3A_83 : vector<3x224x224xf32>
    %swap3A_85 = arith.constant 2 : index
    %swap3A_86 = arith.constant 0 : index
    %swap3A_87 = arith.constant 0 : index
    %swap3A_88 = arith.constant 0 : index
    %swap3A_89 = vector.load %arg5[%swap3A_85, %swap3A_86, %swap3A_87, %swap3A_88] : memref<8x3x224x224xf32, #tpu.memory_space<vmem>>, vector<1x3x224x224xf32>
    %swap3A_90 = vector.shape_cast %swap3A_89 : vector<1x3x224x224xf32> to vector<3x224x224xf32>
    %swap3A_91 = vector.shape_cast %add3A_84 : vector<3x224x224xf32> to vector<1x3x224x224xf32>
    tpu.vector_store %arg5[%swap3A_85, %swap3A_86, %swap3A_87, %swap3A_88], %swap3A_91 {strides = array<i32>} : memref<8x3x224x224xf32, #tpu.memory_space<vmem>>, vector<1x3x224x224xf32>,
    %mul3A_92 = arith.constant 8 : i32
    %mul3A_93 = arith.muli %arg0, %mul3A_92 : i32
    %add3A_94 = arith.constant 3 : i32
    %add3A_95 = arith.addi %mul3A_93, %add3A_94 : i32
    %get3A_96 = arith.index_cast %add3A_95 : i32 to index
    %get3A_97 = memref.load %arg1[%get3A_96] : memref<128xf32, #tpu.memory_space<smem>>
    %get3A_98 = arith.constant 3 : index
    %get3A_99 = arith.constant 0 : index
    %get3A_100 = arith.constant 0 : index
    %get3A_101 = arith.constant 0 : index
    %get3A_102 = vector.load %arg3[%get3A_98, %get3A_99, %get3A_100, %get3A_101] : memref<8x3x224x224xf32, #tpu.memory_space<vmem>>, vector<1x3x224x224xf32>
    %get3A_103 = vector.shape_cast %get3A_102 : vector<1x3x224x224xf32> to vector<3x224x224xf32>
    %mul3A_104 = vector.broadcast %get3A_97 : f32 to vector<3x224x224xf32>
    %mul3A_105 = arith.mulf %mul3A_104, %get3A_103 : vector<3x224x224xf32>
    %get3A_106 = arith.index_cast %add3A_95 : i32 to index
    %get3A_107 = memref.load %arg2[%get3A_106] : memref<128xf32, #tpu.memory_space<smem>>
    %get3A_108 = arith.constant 3 : index
    %get3A_109 = arith.constant 0 : index
    %get3A_110 = arith.constant 0 : index
    %get3A_111 = arith.constant 0 : index
    %get3A_112 = vector.load %arg4[%get3A_108, %get3A_109, %get3A_110, %get3A_111] : memref<8x3x224x224xf32, #tpu.memory_space<vmem>>, vector<1x3x224x224xf32>
    %get3A_113 = vector.shape_cast %get3A_112 : vector<1x3x224x224xf32> to vector<3x224x224xf32>
    %mul3A_114 = vector.broadcast %get3A_107 : f32 to vector<3x224x224xf32>
    %mul3A_115 = arith.mulf %mul3A_114, %get3A_113 : vector<3x224x224xf32>
    %add3A_116 = arith.addf %mul3A_105, %mul3A_115 : vector<3x224x224xf32>
    %swap3A_117 = arith.constant 3 : index
    %swap3A_118 = arith.constant 0 : index
    %swap3A_119 = arith.constant 0 : index
    %swap3A_120 = arith.constant 0 : index
    %swap3A_121 = vector.load %arg5[%swap3A_117, %swap3A_118, %swap3A_119, %swap3A_120] : memref<8x3x224x224xf32, #tpu.memory_space<vmem>>, vector<1x3x224x224xf32>
    %swap3A_122 = vector.shape_cast %swap3A_121 : vector<1x3x224x224xf32> to vector<3x224x224xf32>
    %swap3A_123 = vector.shape_cast %add3A_116 : vector<3x224x224xf32> to vector<1x3x224x224xf32>
    tpu.vector_store %arg5[%swap3A_117, %swap3A_118, %swap3A_119, %swap3A_120], %swap3A_123 {strides = array<i32>} : memref<8x3x224x224xf32, #tpu.memory_space<vmem>>, vector<1x3x224x224xf32>,
    %mul3A_124 = arith.constant 8 : i32
    %mul3A_125 = arith.muli %arg0, %mul3A_124 : i32
    %add3A_126 = arith.constant 4 : i32
    %add3A_127 = arith.addi %mul3A_125, %add3A_126 : i32
    %get3A_128 = arith.index_cast %add3A_127 : i32 to index
    %get3A_129 = memref.load %arg1[%get3A_128] : memref<128xf32, #tpu.memory_space<smem>>
    %get3A_130 = arith.constant 4 : index
    %get3A_131 = arith.constant 0 : index
    %get3A_132 = arith.constant 0 : index
    %get3A_133 = arith.constant 0 : index
    %get3A_134 = vector.load %arg3[%get3A_130, %get3A_131, %get3A_132, %get3A_133] : memref<8x3x224x224xf32, #tpu.memory_space<vmem>>, vector<1x3x224x224xf32>
    %get3A_135 = vector.shape_cast %get3A_134 : vector<1x3x224x224xf32> to vector<3x224x224xf32>
    %mul3A_136 = vector.broadcast %get3A_129 : f32 to vector<3x224x224xf32>
    %mul3A_137 = arith.mulf %mul3A_136, %get3A_135 : vector<3x224x224xf32>
    %get3A_138 = arith.index_cast %add3A_127 : i32 to index
    %get3A_139 = memref.load %arg2[%get3A_138] : memref<128xf32, #tpu.memory_space<smem>>
    %get3A_140 = arith.constant 4 : index
    %get3A_141 = arith.constant 0 : index
    %get3A_142 = arith.constant 0 : index
    %get3A_143 = arith.constant 0 : index
    %get3A_144 = vector.load %arg4[%get3A_140, %get3A_141, %get3A_142, %get3A_143] : memref<8x3x224x224xf32, #tpu.memory_space<vmem>>, vector<1x3x224x224xf32>
    %get3A_145 = vector.shape_cast %get3A_144 : vector<1x3x224x224xf32> to vector<3x224x224xf32>
    %mul3A_146 = vector.broadcast %get3A_139 : f32 to vector<3x224x224xf32>
    %mul3A_147 = arith.mulf %mul3A_146, %get3A_145 : vector<3x224x224xf32>
    %add3A_148 = arith.addf %mul3A_137, %mul3A_147 : vector<3x224x224xf32>
    %swap3A_149 = arith.constant 4 : index
    %swap3A_150 = arith.constant 0 : index
    %swap3A_151 = arith.constant 0 : index
    %swap3A_152 = arith.constant 0 : index
    %swap3A_153 = vector.load %arg5[%swap3A_149, %swap3A_150, %swap3A_151, %swap3A_152] : memref<8x3x224x224xf32, #tpu.memory_space<vmem>>, vector<1x3x224x224xf32>
    %swap3A_154 = vector.shape_cast %swap3A_153 : vector<1x3x224x224xf32> to vector<3x224x224xf32>
    %swap3A_155 = vector.shape_cast %add3A_148 : vector<3x224x224xf32> to vector<1x3x224x224xf32>
    tpu.vector_store %arg5[%swap3A_149, %swap3A_150, %swap3A_151, %swap3A_152], %swap3A_155 {strides = array<i32>} : memref<8x3x224x224xf32, #tpu.memory_space<vmem>>, vector<1x3x224x224xf32>,
    %mul3A_156 = arith.constant 8 : i32
    %mul3A_157 = arith.muli %arg0, %mul3A_156 : i32
    %add3A_158 = arith.constant 5 : i32
    %add3A_159 = arith.addi %mul3A_157, %add3A_158 : i32
    %get3A_160 = arith.index_cast %add3A_159 : i32 to index
    %get3A_161 = memref.load %arg1[%get3A_160] : memref<128xf32, #tpu.memory_space<smem>>
    %get3A_162 = arith.constant 5 : index
    %get3A_163 = arith.constant 0 : index
    %get3A_164 = arith.constant 0 : index
    %get3A_165 = arith.constant 0 : index
    %get3A_166 = vector.load %arg3[%get3A_162, %get3A_163, %get3A_164, %get3A_165] : memref<8x3x224x224xf32, #tpu.memory_space<vmem>>, vector<1x3x224x224xf32>
    %get3A_167 = vector.shape_cast %get3A_166 : vector<1x3x224x224xf32> to vector<3x224x224xf32>
    %mul3A_168 = vector.broadcast %get3A_161 : f32 to vector<3x224x224xf32>
    %mul3A_169 = arith.mulf %mul3A_168, %get3A_167 : vector<3x224x224xf32>
    %get3A_170 = arith.index_cast %add3A_159 : i32 to index
    %get3A_171 = memref.load %arg2[%get3A_170] : memref<128xf32, #tpu.memory_space<smem>>
    %get3A_172 = arith.constant 5 : index
    %get3A_173 = arith.constant 0 : index
    %get3A_174 = arith.constant 0 : index
    %get3A_175 = arith.constant 0 : index
    %get3A_176 = vector.load %arg4[%get3A_172, %get3A_173, %get3A_174, %get3A_175] : memref<8x3x224x224xf32, #tpu.memory_space<vmem>>, vector<1x3x224x224xf32>
    %get3A_177 = vector.shape_cast %get3A_176 : vector<1x3x224x224xf32> to vector<3x224x224xf32>
    %mul3A_178 = vector.broadcast %get3A_171 : f32 to vector<3x224x224xf32>
    %mul3A_179 = arith.mulf %mul3A_178, %get3A_177 : vector<3x224x224xf32>
    %add3A_180 = arith.addf %mul3A_169, %mul3A_179 : vector<3x224x224xf32>
    %swap3A_181 = arith.constant 5 : index
    %swap3A_182 = arith.constant 0 : index
    %swap3A_183 = arith.constant 0 : index
    %swap3A_184 = arith.constant 0 : index
    %swap3A_185 = vector.load %arg5[%swap3A_181, %swap3A_182, %swap3A_183, %swap3A_184] : memref<8x3x224x224xf32, #tpu.memory_space<vmem>>, vector<1x3x224x224xf32>
    %swap3A_186 = vector.shape_cast %swap3A_185 : vector<1x3x224x224xf32> to vector<3x224x224xf32>
    %swap3A_187 = vector.shape_cast %add3A_180 : vector<3x224x224xf32> to vector<1x3x224x224xf32>
    tpu.vector_store %arg5[%swap3A_181, %swap3A_182, %swap3A_183, %swap3A_184], %swap3A_187 {strides = array<i32>} : memref<8x3x224x224xf32, #tpu.memory_space<vmem>>, vector<1x3x224x224xf32>,
    %mul3A_188 = arith.constant 8 : i32
    %mul3A_189 = arith.muli %arg0, %mul3A_188 : i32
    %add3A_190 = arith.constant 6 : i32
    %add3A_191 = arith.addi %mul3A_189, %add3A_190 : i32
    %get3A_192 = arith.index_cast %add3A_191 : i32 to index
    %get3A_193 = memref.load %arg1[%get3A_192] : memref<128xf32, #tpu.memory_space<smem>>
    %get3A_194 = arith.constant 6 : index
    %get3A_195 = arith.constant 0 : index
    %get3A_196 = arith.constant 0 : index
    %get3A_197 = arith.constant 0 : index
    %get3A_198 = vector.load %arg3[%get3A_194, %get3A_195, %get3A_196, %get3A_197] : memref<8x3x224x224xf32, #tpu.memory_space<vmem>>, vector<1x3x224x224xf32>
    %get3A_199 = vector.shape_cast %get3A_198 : vector<1x3x224x224xf32> to vector<3x224x224xf32>
    %mul3A_200 = vector.broadcast %get3A_193 : f32 to vector<3x224x224xf32>
    %mul3A_201 = arith.mulf %mul3A_200, %get3A_199 : vector<3x224x224xf32>
    %get3A_202 = arith.index_cast %add3A_191 : i32 to index
    %get3A_203 = memref.load %arg2[%get3A_202] : memref<128xf32, #tpu.memory_space<smem>>
    %get3A_204 = arith.constant 6 : index
    %get3A_205 = arith.constant 0 : index
    %get3A_206 = arith.constant 0 : index
    %get3A_207 = arith.constant 0 : index
    %get3A_208 = vector.load %arg4[%get3A_204, %get3A_205, %get3A_206, %get3A_207] : memref<8x3x224x224xf32, #tpu.memory_space<vmem>>, vector<1x3x224x224xf32>
    %get3A_209 = vector.shape_cast %get3A_208 : vector<1x3x224x224xf32> to vector<3x224x224xf32>
    %mul3A_210 = vector.broadcast %get3A_203 : f32 to vector<3x224x224xf32>
    %mul3A_211 = arith.mulf %mul3A_210, %get3A_209 : vector<3x224x224xf32>
    %add3A_212 = arith.addf %mul3A_201, %mul3A_211 : vector<3x224x224xf32>
    %swap3A_213 = arith.constant 6 : index
    %swap3A_214 = arith.constant 0 : index
    %swap3A_215 = arith.constant 0 : index
    %swap3A_216 = arith.constant 0 : index
    %swap3A_217 = vector.load %arg5[%swap3A_213, %swap3A_214, %swap3A_215, %swap3A_216] : memref<8x3x224x224xf32, #tpu.memory_space<vmem>>, vector<1x3x224x224xf32>
    %swap3A_218 = vector.shape_cast %swap3A_217 : vector<1x3x224x224xf32> to vector<3x224x224xf32>
    %swap3A_219 = vector.shape_cast %add3A_212 : vector<3x224x224xf32> to vector<1x3x224x224xf32>
    tpu.vector_store %arg5[%swap3A_213, %swap3A_214, %swap3A_215, %swap3A_216], %swap3A_219 {strides = array<i32>} : memref<8x3x224x224xf32, #tpu.memory_space<vmem>>, vector<1x3x224x224xf32>,
    %mul3A_220 = arith.constant 8 : i32
    %mul3A_221 = arith.muli %arg0, %mul3A_220 : i32
    %add3A_222 = arith.constant 7 : i32
    %add3A_223 = arith.addi %mul3A_221, %add3A_222 : i32
    %get3A_224 = arith.index_cast %add3A_223 : i32 to index
    %get3A_225 = memref.load %arg1[%get3A_224] : memref<128xf32, #tpu.memory_space<smem>>
    %get3A_226 = arith.constant 7 : index
    %get3A_227 = arith.constant 0 : index
    %get3A_228 = arith.constant 0 : index
    %get3A_229 = arith.constant 0 : index
    %get3A_230 = vector.load %arg3[%get3A_226, %get3A_227, %get3A_228, %get3A_229] : memref<8x3x224x224xf32, #tpu.memory_space<vmem>>, vector<1x3x224x224xf32>
    %get3A_231 = vector.shape_cast %get3A_230 : vector<1x3x224x224xf32> to vector<3x224x224xf32>
    %mul3A_232 = vector.broadcast %get3A_225 : f32 to vector<3x224x224xf32>
    %mul3A_233 = arith.mulf %mul3A_232, %get3A_231 : vector<3x224x224xf32>
    %get3A_234 = arith.index_cast %add3A_223 : i32 to index
    %get3A_235 = memref.load %arg2[%get3A_234] : memref<128xf32, #tpu.memory_space<smem>>
    %get3A_236 = arith.constant 7 : index
    %get3A_237 = arith.constant 0 : index
    %get3A_238 = arith.constant 0 : index
    %get3A_239 = arith.constant 0 : index
    %get3A_240 = vector.load %arg4[%get3A_236, %get3A_237, %get3A_238, %get3A_239] : memref<8x3x224x224xf32, #tpu.memory_space<vmem>>, vector<1x3x224x224xf32>
    %get3A_241 = vector.shape_cast %get3A_240 : vector<1x3x224x224xf32> to vector<3x224x224xf32>
    %mul3A_242 = vector.broadcast %get3A_235 : f32 to vector<3x224x224xf32>
    %mul3A_243 = arith.mulf %mul3A_242, %get3A_241 : vector<3x224x224xf32>
    %add3A_244 = arith.addf %mul3A_233, %mul3A_243 : vector<3x224x224xf32>
    %swap3A_245 = arith.constant 7 : index
    %swap3A_246 = arith.constant 0 : index
    %swap3A_247 = arith.constant 0 : index
    %swap3A_248 = arith.constant 0 : index
    %swap3A_249 = vector.load %arg5[%swap3A_245, %swap3A_246, %swap3A_247, %swap3A_248] : memref<8x3x224x224xf32, #tpu.memory_space<vmem>>, vector<1x3x224x224xf32>
    %swap3A_250 = vector.shape_cast %swap3A_249 : vector<1x3x224x224xf32> to vector<3x224x224xf32>
    %swap3A_251 = vector.shape_cast %add3A_244 : vector<3x224x224xf32> to vector<1x3x224x224xf32>
    tpu.vector_store %arg5[%swap3A_245, %swap3A_246, %swap3A_247, %swap3A_248], %swap3A_251 {strides = array<i32>} : memref<8x3x224x224xf32, #tpu.memory_space<vmem>>, vector<1x3x224x224xf32>,
    return
  }
  func.func @transform_0(%arg0: i32, %arg1: memref<128xf32, #tpu.memory_space<smem>>, %arg2: memref<128xf32, #tpu.memory_space<smem>>) -> (i32, i32, i32, i32) {
    %c0_i32 = arith.constant 0 : i32
    %c0_i32_0 = arith.constant 0 : i32
    %c0_i32_1 = arith.constant 0 : i32
    %c0_i32_2 = arith.constant 0 : i32
    return %arg0, %c0_i32, %c0_i32_0, %c0_i32_1 : i32, i32, i32, i32
  }
  func.func @transform_1(%arg0: i32, %arg1: memref<128xf32, #tpu.memory_space<smem>>, %arg2: memref<128xf32, #tpu.memory_space<smem>>) -> (i32, i32, i32, i32) {
    %c0_i32 = arith.constant 0 : i32
    %c0_i32_0 = arith.constant 0 : i32
    %c0_i32_1 = arith.constant 0 : i32
    %c0_i32_2 = arith.constant 0 : i32
    return %arg0, %c0_i32, %c0_i32_0, %c0_i32_1 : i32, i32, i32, i32
  }
  func.func @transform_2(%arg0: i32, %arg1: memref<128xf32, #tpu.memory_space<smem>>, %arg2: memref<128xf32, #tpu.memory_space<smem>>) -> (i32, i32, i32, i32) {
    %c0_i32 = arith.constant 0 : i32
    %c0_i32_0 = arith.constant 0 : i32
    %c0_i32_1 = arith.constant 0 : i32
    %c0_i32_2 = arith.constant 0 : i32
    return %arg0, %c0_i32, %c0_i32_0, %c0_i32_1 : i32, i32, i32, i32
  }
}

</mosaic_0001>

<sc_bundles>
// kernel: kernel.4.cloned.1.call-start
scs
__scs_entry_jumppad:
0x0: {  	(pc) =	sbr.rel $0x88, $3  }
0x1: {  	(tag) =	ssettag $0x0;
	lr =	simm.s32 $0x1  }
0x2: {  	[smem:$0x3F9E] =	sst lr;
	_ =	strace $0xD0000000  }
0x3: {  	_ = 	snop  }
0x4: {  	_ = 	snop  }
0x5: {  	_ = 	snop  }
0x6: {  	_ = 	snop  }
0x7: {  	_ = 	snop  }
__scs_overlays_trampoline_lowered:
0x8: {  	[smem:$0x3FAD] =	sst s0  }
0x9: {  	[smem:$0x3FAE] =	sst s1  }
0xa: {  	[smem:$0x3FAF] =	sst s2  }
0xb: {  	[smem:$0x3FB0] =	sst s3  }
0xc: {  	[smem:$0x3FB1] =	sst s4  }
0xd: {  	[smem:$0x3FB2] =	sst s5  }
0xe: {  	[smem:$0x3FB3] =	sst s6  }
0xf: {  	[smem:$0x3FB4] =	sst s7  }
0x10: {  	[smem:$0x3FB5] =	sst s8  }
0x11: {  	[smem:$0x3FB6] =	sst s9;
	s0 =	simm.s32 @!p0 $0x0  }
0x12: {  	s1 =	sld [smem:$0x3F9C];
	s0 =	simm.s32 @p0 $0x1  }
0x13: {  	[smem:$0x3FB7] =	sst s0;
	s0 =	simm.s32 @!p1 $0x0  }
0x14: {  	s2 =	sld [smem:$0x3F9B];
	s0 =	simm.s32 @p1 $0x1  }
0x15: {  	[smem:$0x3FB8] =	sst s0;
	s0 =	simm.s32 @!p2 $0x0  }
0x16: {  	s3 =	sld [smem:$0x3FDB];
	s0 =	simm.s32 @p2 $0x1  }
0x17: {  	s4 =	simm.s32 $0x1BF5;
	[smem:$0x3FBA] =	sst s0  }
0x18: {  	s0 =	sld [smem:$0x3F9D];
	_ =	swait.ge [sflag:s4], $0x0  }
0x19: {  	s7 =	sld [smem:$0x3F9E]  }
0x1a: {  	s8 =	sadd.s32 $0xFFFFE003, lr  }
0x1b: {  	s9 =	sadd.s32 $0xFFFFFEF7, lr;
	s5 =	simm.s32 $0xFFFFFFFF;
	p2 =	slt.u32 s8, $0xFFFFF086  }
0x1c: {  	p1 =	slt.u32 s9, $0xF7A;
	s5 =	simm.s32 @!p2 $0x0  }
0x1d: {  	s5 =	simm.s32 @p1 $0x1;
	p0 =	seq.s32 s7, s2  }
0x1e: {  	s7 =	smul.u32 @!p0 $0xF7A, s2;
	p2 =	seq.s32 @!p0 s5, $0x0  }
0x1f: {  	s9 =	smul.u32 $0xF7A, s1;
	s8 =	simm.s32 @!p0 $0x1BF5;
	p2 =	por !p2, p0  }
0x20: {  	[sflag:s8] =	ssyncset.s32 @!p0 $0xFFFFF086;
	s6 =	sadd.s32 @!p0 s3, s7;
	s7 =	simm.s32 @!p0 $0x108  }
0x21: {  	s3 =	sadd.s32 s3, s9;
	s6 =	sadd.s32 @!p0 $0x88, s6;
	s7 =	simm.s32 @p2 $0x1082  }
0x22: {  	[simem:s7], [sflag:s8] =	dma.local @!p0 [hbm:s6], $0xF7A  }
0x23: {  	s9 =	sor.u32 $0xD0000000, s2;
	s6 =	simm.s32 $0x108;
	_ =	swait.ge @!p0 [sflag:s8], $0x0  }
0x24: {  	s3 =	sadd.s32 $0x88, s3;
	s6 =	simm.s32 @!p1 $0x1082;
	[sflag:s4] =	ssyncset.s32 $0xFFFFF086  }
0x25: {  	[simem:s6], [sflag:s4] =	dma.local [hbm:s3], $0xF7A  }
0x26: {  	[smem:$0x3F9E] =	sst s1;
	(tag) =	ssettag s2;
	_ =	strace s9  }
0x27: {  	s1 =	sld [smem:$0x3FAE]  }
0x28: {  	s2 =	sld [smem:$0x3FAF]  }
0x29: {  	s4 =	sld [smem:$0x3FB1]  }
0x2a: {  	p0 =	seq.s32 s5, $0x0;
	s5 =	sld [smem:$0x3FB2]  }
0x2b: {  	s6 =	sld [smem:$0x3FB3]  }
0x2c: {  	s7 =	sld [smem:$0x3FB4]  }
0x2d: {  	s3 =	simm.s32 $0x108;
	s8 =	sld [smem:$0x3FB5]  }
0x2e: {  	s3 =	simm.s32 @!p0 $0x1082;
	s9 =	sld [smem:$0x3FB6]  }
0x2f: {  	lr =	sadd.s32 s0, s3;
	s0 =	sld [smem:$0x3FAD]  }
0x30: {  	s3 =	sld [smem:$0x3FB0]  }
0x31: {  	[smem:$0x3FB9] =	sst s10  }
0x32: {  	s10 =	sld [smem:$0x3FB7];
	_ =	sdelay $0x3  }
0x33: {  	p0 =	seq.s32 s10, $0x1;
	s10 =	sld [smem:$0x3FB9];
	_ =	sdelay $0x3  }
0x34: {  	[smem:$0x3FB9] =	sst s10  }
0x35: {  	s10 =	sld [smem:$0x3FB8];
	_ =	sdelay $0x3  }
0x36: {  	p1 =	seq.s32 s10, $0x1;
	s10 =	sld [smem:$0x3FB9];
	_ =	sdelay $0x3  }
0x37: {  	[smem:$0x3FB9] =	sst s10  }
0x38: {  	s10 =	sld [smem:$0x3FBA]  }
0x39: {  	_ = 	snop;
	(pc) =	sbr.ind lr, $3  }
0x3a: {  	_ = 	snop  }
0x3b: {  	_ = 	snop  }
0x3c: {  	p2 =	seq.s32 s10, $0x1;
	s10 =	sld [smem:$0x3FB9]  }
0x3d: {  	_ =	shalt  }
0x3e: {  	_ =	shalt  }
0x3f: {  	_ =	shalt  }
0x40: {  	_ =	shalt  }
0x41: {  	_ =	shalt  }
0x42: {  	_ =	shalt  }
0x43: {  	_ =	shalt  }
0x44: {  	_ =	shalt  }
0x45: {  	_ =	shalt  }
0x46: {  	_ =	shalt  }
0x47: {  	_ =	shalt  }
0x48: {  	_ =	shalt  }
0x49: {  	_ =	shalt  }
0x4a: {  	_ =	shalt  }
0x4b: {  	_ =	shalt  }
0x4c: {  	_ =	shalt  }
0x4d: {  	_ =	shalt  }
0x4e: {  	_ =	shalt  }
0x4f: {  	_ =	shalt  }
0x50: {  	_ =	shalt  }
0x51: {  	_ =	shalt  }
0x52: {  	_ =	shalt  }
0x53: {  	_ =	shalt  }
0x54: {  	_ =	shalt  }
0x55: {  	_ =	shalt  }
0x56: {  	_ =	shalt  }
0x57: {  	_ =	shalt  }
0x58: {  	_ =	shalt  }
0x59: {  	_ =	shalt  }
0x5a: {  	_ =	shalt  }
0x5b: {  	_ =	shalt  }
0x5c: {  	_ =	shalt  }
0x5d: {  	_ =	shalt  }
0x5e: {  	_ =	shalt  }
0x5f: {  	_ =	shalt  }
0x60: {  	_ =	shalt  }
0x61: {  	_ =	shalt  }
0x62: {  	_ =	shalt  }
0x63: {  	_ =	shalt  }
0x64: {  	_ =	shalt  }
0x65: {  	_ =	shalt  }
0x66: {  	_ =	shalt  }
0x67: {  	_ =	shalt  }
0x68: {  	_ =	shalt  }
0x69: {  	_ =	shalt  }
0x6a: {  	_ =	shalt  }
0x6b: {  	_ =	shalt  }
0x6c: {  	_ =	shalt  }
0x6d: {  	_ =	shalt  }
0x6e: {  	_ =	shalt  }
0x6f: {  	_ =	shalt  }
0x70: {  	_ =	shalt  }
0x71: {  	_ =	shalt  }
0x72: {  	_ =	shalt  }
0x73: {  	_ =	shalt  }
0x74: {  	_ =	shalt  }
0x75: {  	_ =	shalt  }
0x76: {  	_ =	shalt  }
0x77: {  	_ =	shalt  }
0x78: {  	_ =	shalt  }
0x79: {  	_ =	shalt  }
0x7a: {  	_ =	shalt  }
0x7b: {  	_ =	shalt  }
0x7c: {  	_ =	shalt  }
0x7d: {  	_ =	shalt  }
0x7e: {  	_ =	shalt  }
0x7f: {  	_ =	shalt  }
0x80: {  	_ =	shalt  }
0x81: {  	_ =	shalt  }
0x82: {  	_ =	shalt  }
0x83: {  	_ =	shalt  }
0x84: {  	_ =	shalt  }
0x85: {  	_ =	shalt  }
0x86: {  	_ =	shalt  }
0x87: {  	_ =	shalt  }
.Lfunc_end0:
.L_simem_size_0:
called_computation_lowered:
.L_overlay_start_0:
0x88: {  	s2 =	sld [smem:$0x3FD9]  }
0x89: {  	s3 =	sld [smem:$0x3FFE];
	_ =	sdelay $0x1  }
0x8a: {  	s1 =	srdreg.scid  }
0x8b: {  	s0 =	sand.u32 $0x1, s1  }
0x8c: {  	s17 =	sshll.u32 s0, $0xA;
	s2 =	sadd.s32 s3, s2  }
0x8d: {  	s2 =	sadd.s32 s2, s17  }
0x8e: {  	[smem:$0x3FC5] =	sst s2  }
0x8f: {  	_ = 	snop  }
0x90: {  	s2 =	sld [smem:$0x3FC7]  }
0x91: {  	s18 =	sld [smem:$0x3FD0];
	(tm) =	ssettm $0x1  }
0x92: {  	s4 =	sld [smem:$0x3FFB];
	_ =	sdelay $0x3  }
0x93: {  	_ =	strace s4  }
0x94: {  	s4 =	sld [smem:$0x3FFC];
	_ =	sdelay $0x3  }
0x95: {  	_ =	strace s4  }
0x96: {  	s4 =	sld [smem:$0x3FFD];
	_ =	sdelay $0x3  }
0x97: {  	_ =	strace s4  }
0x98: {  	_ =	strace $0x8FFFFFFF  }
0x99: {  	s19 =	sld [smem:$0x3FDB];
	_ =	sdelay $0x1  }
0x9a: {  	s5 =	simm.s32 $_scs_section_size  }
0x9b: {  	s6 =	simm.s32 $_size__tile_overlayer_lowered;
	s7 =	simm.s32 $_tile_overlayer_lowered  }
0x9c: {  	s22 =	simm.s32 $0x1BFF;
	s21 =	sshll.u32 s7, $0x1;
	s4 =	sadd.s32 s5, s19  }
0x9d: {  	s8 =	simm.s32 $0x0;
	s20 =	sshll.u32 s6, $0x1;
	s6 =	sadd.s32 s21, s4  }
0x9e: {  	[timem:s8], [sflag:s22] =	dma.local [hbm:s6], s20  }
0x9f: {  	_ =	swait.ge [sflag:s22], s20  }
0xa0: {  	s5 =	ssub.s32 $0x0, s20;
	[sflag:s22] =	ssyncset.done $0x0  }
0xa1: {  	[sflag:s22] =	ssyncadd.s32 s5;
	_ =	sdelay $0x1  }
0xa2: {  	s23 =	simm.s32 $0x1B8B  }
0xa3: {  	_ =	swait.ge [sflag:s23], $0x1  }
0xa4: {  	[sflag:s23] =	ssyncset.done $0x0  }
0xa5: {  	s25 =	simm.s32 $0x1B8E;
	s24 =	sld [smem:$0x3FFE];
	[sflag:s23] =	ssyncadd.s32 $0xFFFFFFFF  }
0xa6: {  	s26 =	simm.s32 $execute0_lowered;
	[smem:$0x3FD2] =	sst s25  }
0xa7: {  	s6 =	sshll.u32 s26, $0x1;
	_ =	strace $0x80000046;
	[dreg:$0x1] =	wrdreg $0xFFFFFFFF  }
0xa8: {  	s28 =	simm.s32 $_size_execute0_lowered;
	s4 =	sadd.s32 s4, s6;
	[dreg:$0x0] =	wrdreg $0x0  }
0xa9: {  	s6 =	sshll.u32 s28, $0x1;
	[dreg:$0x2] =	wrdreg s4  }
0xaa: {  	[dreg:$0x3] =	wrdreg s6  }
0xab: {  	[dreg:$0x4] =	wrdreg $0xC0  }
0xac: {  	_ =	task [dreg:s8], $0x5FFFF  }
0xad: {  	[dreg:$0x1] =	wrdreg $0xFFFFFFFF  }
0xae: {  	[dreg:$0x0] =	wrdreg $0x60  }
0xaf: {  	[dreg:$0x2] =	wrdreg s2  }
0xb0: {  	[dreg:$0x3] =	wrdreg s18  }
0xb1: {  	[dreg:$0x4] =	wrdreg s24  }
0xb2: {  	[dreg:$0x5] =	wrdreg $0x9  }
0xb3: {  	_ =	task.clear_ibuf [dreg:s8], $0x6FFFF;
	_ =	strace $0x90000046  }
0xb4: {  	s29 =	simm.s32 $0x9;
	_ =	strace $0x80000048  }
0xb5: {  	_ =	swait.ge [sflag:s29], $0x1  }
0xb6: {  	[sflag:s29] =	ssyncadd.s32 $0xFFFFFFFF  }
0xb7: {  	_ =	strace $0x90000048  }
0xb8: {  	_ =	sfence  }
0xb9: {  	s30 =	sld [smem:$0x0];
	_ =	sdelay $0x2  }
0xba: {  	s31 =	sshll.u32 s1, $0xD;
	s1 =	sshrl.u32 s1, $0x2  }
0xbb: {  	s3 =	sand.u32 $0x4000, s31;
	s1 =	sadd.s32 s1, s30  }
0xbc: {  	s0 =	sor.u32 s3, s0;
	s1 =	sshll.u32 s1, $0x11  }
0xbd: {  	s0 =	sor.u32 s1, s0  }
0xbe: {  	s0 =	sadd.s32 $0x8F2B, s0  }
0xbf: {  	[sflag:s0] =	ssyncadd.remote.s32 $0x1  }
0xc0: {  	_ =	sfence.sel $0xFFFF  }
0xc1: {  	[dreg:$0x0] =	wrdreg $0xFFFFFFFF;
	(pc) =	sbr.abs _section_cstart, $3  }
0xc2: {  	[dreg:$0x1] =	wrdreg $0xFFFFFFFF  }
0xc3: {  	_ =	task.clear_ibuf [dreg:s8], $0x2FFFF;
	_ =	strace $0x9FFFFFFF  }
0xc4: {  	(tm) =	ssettm $0x7FFFFFFF  }
0xc5: {  	_ =	shalt  }
tec
execute0_lowered:
.L_overlay_start_1:
0x0: {  	(tag) =	ssettag $0x1  }
0x1: {  	s1 =	stileid.u32  }
0x2: {  	p0 =	sgt.u32 s1, $0x7  }
.Ltmp0:
0x3: {  	s5 =	rddreg [dreg:$0x0];
	(pc) =	sbr.rel @p0 .LBB2_4-.Ltmp0, $4  }
0x4: {  	s2 =	rddreg [dreg:$0x1]  }
0x5: {  	s3 =	rddreg [dreg:$0x2];
	s4 =	simm.s32 $0x0  }
0x6: {  	[smem:$0x7FF] =	sst s4  }
0x7: {  	s0 =	rddreg [dreg:$0x3];
	_ =	strace $0x80000047  }
0x8: {  	s6 =	srdreg.scid  }
0x9: {  	s30 =	sshll.u32 s1, $0x1;
	s13 =	sand.u32 $0x1, s6  }
0xa: {  	s12 =	sor.u32 s13, s30  }
0xb: {  	s6 =	sadd.s32 s5, s12;
	s5 =	simm.s32 $0x3  }
0xc: {  	[tilespmem:s4], [sflag:$0x3] =	stream.linear.gather [hbm4b:s6+s4], $0x8, $0x38;
	[tilespmem:$0x880] =	vst v63  }
0xd: {  	_ =	swait.ge [sflag:s5], $0x8  }
0xe: {  	s7 =	simm.s32 $0x8;
	[sflag:s5] =	ssyncset.done $0x0  }
0xf: {  	s8 =	simm.s32 $0x80;
	s9 =	simm.s32 $0x1;
	[sflag:s5] =	ssyncadd.s32 $0xFFFFFFF8  }
0x10: {  	[tilespmem:s8], [sflag:$0x1] =	stream.indirect.gather [hbm4b:s2+s7], $0x80, s4, s7, $0xb8;
	[tilespmem:$0x880] =	vst v63  }
0x11: {  	_ =	swait.ge [sflag:s9], $0x400  }
0x12: {  	s10 =	simm.s32 $0x480;
	[sflag:s9] =	ssyncset.done $0x0  }
0x13: {  	s11 =	simm.s32 $0x2;
	s13 =	ssub.s32 $0x2, s13;
	[sflag:s9] =	ssyncadd.s32 $0xFFFFFC00  }
0x14: {  	[tilespmem:s10], [sflag:$0x2] =	stream.indirect.gather [hbm4b:s3+s7], $0x80, s4, s7, $0xb8;
	[tilespmem:$0x880] =	vst v63  }
0x15: {  	s12 =	sshll.u32 s12, $0x7;
	s15 =	sshrl.u32 s13, $0x1;
	_ =	swait.ge [sflag:s11], $0x400  }
0x16: {  	s14 =	sadd.s32 s12, s3;
	s15 =	ssub.s32 s13, s15;
	[sflag:s11] =	ssyncset.done $0x0  }
0x17: {  	s12 =	sadd.s32 $0x4000, s14;
	s31 =	smax.u32 s15, $0x1;
	[sflag:s11] =	ssyncadd.s32 $0xFFFFFC00  }
0x18: {  	[hbm4b:s12+s4] =	stream.linear.scatter [tilespmem:s8], [sflag:$0x3], $0x400, $0x38;
	[tilespmem:$0x880] =	vst v63  }
0x19: {  	p0 =	sne.s32 s31, $0x1;
	_ =	swait.ge [sflag:s5], $0x400  }
.Ltmp1:
0x1a: {  	[sflag:s5] =	ssyncset.done $0x0;
	(pc) =	sbr.rel @!p0 .LBB2_3-.Ltmp1, $4  }
0x1b: {  	s13 =	sadd.s32 $0x4800, s14;
	[sflag:s5] =	ssyncadd.s32 $0xFFFFFC00  }
0x1c: {  	[hbm4b:s13+s4] =	stream.linear.scatter [tilespmem:s10], [sflag:$0x3], $0x400, $0x38;
	[tilespmem:$0x880] =	vst v63  }
0x1d: {  	_ =	swait.ge [sflag:s5], $0x400  }
0x1e: {  	s14 =	sadd.s32 $0xFFFFFFFF, s31;
	[sflag:s5] =	ssyncset.done $0x0  }
.LBB2_2:
0x1f: {  	p0 =	sne.s32 s14, $0x1;
	s14 =	sadd.s32 $0xFFFFFFFF, s14;
	[sflag:s5] =	ssyncadd.s32 $0xFFFFFC00  }
0x20: {  	[tilespmem:s4], [sflag:$0x3] =	stream.linear.gather [hbm4b:s6+s4], $0x8, $0x38;
	[tilespmem:$0x880] =	vst v63  }
0x21: {  	_ =	swait.ge [sflag:s5], $0x8  }
0x22: {  	[sflag:s5] =	ssyncset.done $0x0  }
0x23: {  	[sflag:s5] =	ssyncadd.s32 $0xFFFFFFF8  }
0x24: {  	[tilespmem:s8], [sflag:$0x1] =	stream.indirect.gather [hbm4b:s2+s7], $0x80, s4, s7, $0xb8;
	[tilespmem:$0x880] =	vst v63  }
0x25: {  	_ =	swait.ge [sflag:s9], $0x400  }
0x26: {  	[sflag:s9] =	ssyncset.done $0x0  }
0x27: {  	[sflag:s9] =	ssyncadd.s32 $0xFFFFFC00  }
0x28: {  	[tilespmem:s10], [sflag:$0x2] =	stream.indirect.gather [hbm4b:s3+s7], $0x80, s4, s7, $0xb8;
	[tilespmem:$0x880] =	vst v63  }
0x29: {  	_ =	swait.ge [sflag:s11], $0x400  }
0x2a: {  	[sflag:s11] =	ssyncset.done $0x0  }
0x2b: {  	[sflag:s11] =	ssyncadd.s32 $0xFFFFFC00  }
0x2c: {  	[hbm4b:s12+s4] =	stream.linear.scatter [tilespmem:s8], [sflag:$0x3], $0x400, $0x38;
	[tilespmem:$0x880] =	vst v63  }
0x2d: {  	_ =	swait.ge [sflag:s5], $0x400  }
.Ltmp2:
0x2e: {  	[sflag:s5] =	ssyncset.done $0x0;
	(pc) =	sbr.rel @p0 .LBB2_2-.Ltmp2, $4  }
0x2f: {  	[sflag:s5] =	ssyncadd.s32 $0xFFFFFC00  }
0x30: {  	[hbm4b:s13+s4] =	stream.linear.scatter [tilespmem:s10], [sflag:$0x3], $0x400, $0x38;
	[tilespmem:$0x880] =	vst v63  }
0x31: {  	_ =	swait.ge [sflag:s5], $0x400  }
0x32: {  	[sflag:s5] =	ssyncset.done $0x0  }
.LBB2_3:
0x33: {  	[sflag:s5] =	ssyncadd.s32 $0xFFFFFC00  }
.LBB2_4:
0x34: {  	_ =	sfence.sel $0x180000  }
0x35: {  	[bflag:$0x0] =	sbarrier.arrive $0xFFFF  }
0x36: {  	p0 =	sne.s32 s1, $0x0;
	_ =	strace $0x90000047  }
0x37: {  	s0 =	sadd.s32 @!p0 $0x100000, s0;
	[bflag:$0x2] =	sbarrier.arrive $0xFFFF  }
0x38: {  	[sflag:s0] =	ssyncadd.tile.s32 @!p0 $0x1;
	_ =	shalt  }
.Lfunc_end2:
_tile_overlayer_lowered:
.L_overlay_start_2:
0x39: {  	(tag) =	ssettag $0x2  }
0x3a: {  	s0 =	rddreg [dreg:$0x0];
	s2 =	stileid.u32  }
0x3b: {  	s1 =	rddreg [dreg:$0x1];
	p0 =	sne.s32 s2, $0x0  }
0x3c: {  	s3 =	rddreg [dreg:$0x2];
	[bflag:$0x3] =	sbarrier.arrive $0xFFFF;
	s2 =	simm.s32 @!p0 $0x1C03  }
0x3d: {  	[timem:s3], [sflag:s2] =	dma.local @!p0 [hbm:s0], s1  }
0x3e: {  	s0 =	simm.s32 @!p0 $0x3  }
0x3f: {  	_ =	swait.ge @!p0 [sflag:s0], s1  }
0x40: {  	s1 =	ssub.s32 @!p0 $0x0, s1;
	[sflag:s0] =	ssyncset.done @!p0 $0x0  }
0x41: {  	[sflag:s0] =	ssyncadd.s32 @!p0 s1  }
0x42: {  	[bflag:$0x3] =	sbarrier.arrive $0xFFFF  }
0x43: {  	_ =	shalt  }

</sc_bundles>
